<compile_context>
chip_gen: v7x
topology: tpu7x:2x2x1
jax: 0.10.2.dev20260603
libtpu: 0.0.44.dev20260713+nightly
codegen_flags: <defaults>
</compile_context>

<pallas_src>
import functools
import jax
import jax.numpy as jnp
from jax import lax
from jax.experimental import pallas as pl
from jax.experimental.pallas import tpu as pltpu
from jax.experimental.pallas import tpu_sc as plsc

_B = 1_000_000
_D = 64
_NC = 2
_NS = 16
_NW = _NC * _NS
_C = 320
_G = 80
_NG = _C // _G
_NCHUNK = _B // _C
_TMAX = -(-_NCHUNK // _NW)
_NBLK = _C // 16


def _body(src_hbm, dst_hbm, table_hbm, out_hbm,
          sidx_v, didx_v, srows_v, drows_v, out_v, sem):
    wid = lax.axis_index("s") * _NC + lax.axis_index("c")
    lane = lax.iota(jnp.int32, 16)

    def chunk_body(t, _):
        c = wid + t * _NW

        @pl.when(c < _NCHUNK)
        def _():
            base = c * _C
            pltpu.sync_copy(src_hbm.at[pl.ds(base, _C)], sidx_v)
            pltpu.sync_copy(dst_hbm.at[pl.ds(base, _C)], didx_v)
            s2d = srows_v
            d2d = drows_v
            for j in range(_NG):
                pltpu.async_copy(
                    table_hbm.at[sidx_v.at[pl.ds(j * _G, _G)]],
                    s2d.at[pl.ds(j * _G, _G)], sem)
                pltpu.async_copy(
                    table_hbm.at[didx_v.at[pl.ds(j * _G, _G)]],
                    d2d.at[pl.ds(j * _G, _G)], sem)
            for j in range(_NG):
                pltpu.make_async_copy(
                    table_hbm.at[sidx_v.at[pl.ds(j * _G, _G)]],
                    s2d.at[pl.ds(j * _G, _G)], sem).wait()
                pltpu.make_async_copy(
                    table_hbm.at[didx_v.at[pl.ds(j * _G, _G)]],
                    d2d.at[pl.ds(j * _G, _G)], sem).wait()

            def samp_body(i, _):
                acc = jnp.zeros((16,), jnp.float32)
                for k in range(_D // 16):
                    a = srows_v[i, pl.ds(k * 16, 16)]
                    bb = drows_v[i, pl.ds(k * 16, 16)]
                    acc = acc + jnp.abs(a - bb)
                tot = jnp.sum(acc)
                plsc.store_scatter(out_v, [jnp.full((16,), i, jnp.int32)],
                                   jnp.full((16,), tot, jnp.float32),
                                   mask=lane == 0)
                return 0

            lax.fori_loop(0, _C, samp_body, 0)
            pltpu.sync_copy(out_v, out_hbm.at[pl.ds(base, _C)])

        return 0

    lax.fori_loop(0, _TMAX, chunk_body, 0)


@jax.jit
def _emb_l1(src, dst, table):
    mesh = plsc.VectorSubcoreMesh(core_axis_name="c", subcore_axis_name="s")
    f = pl.kernel(
        _body,
        out_type=jax.ShapeDtypeStruct((_B,), jnp.float32),
        mesh=mesh,
        scratch_types=[
            pltpu.VMEM((_C,), jnp.int32),
            pltpu.VMEM((_C,), jnp.int32),
            pltpu.VMEM((_C, _D), jnp.float32),
            pltpu.VMEM((_C, _D), jnp.float32),
            pltpu.VMEM((_C,), jnp.float32),
            pltpu.SemaphoreType.DMA,
        ],
        compiler_params=pltpu.CompilerParams(
            needs_layout_passes=False, use_tc_tiling_on_sc=False),
        name="emb_l1_sc",
    )
    return f(src, dst, table)


def kernel(src, dst, embedding):
    return _emb_l1(src, dst, embedding)

# --- scband reference (transcript-rebuilt; emitter-appended) ---
"""Pipeline reference for scband-simple-embedding-model-80444737454438 (READ-ONLY COPY).

The authoritative reference and input builder live on the scoring server;
editing this copy changes nothing except your own understanding.
"""

import jax, jax.numpy as jnp
import numpy as np

NUM_NODES = 1000000
EMBED_DIM = 64
NUM_SAMPLES = 1000000

def setup_inputs(seed: int = 0) -> dict:
    key = jax.random.key(seed)
    k1, k2, k3 = jax.random.split(key, 3)
    src = jax.random.randint(k1, (NUM_SAMPLES,), 0, NUM_NODES, dtype=jnp.int32)
    dst = jax.random.randint(k2, (NUM_SAMPLES,), 0, NUM_NODES, dtype=jnp.int32)
    embedding = jax.random.normal(k3, (NUM_NODES, EMBED_DIM), dtype=jnp.float32)
    return {"src": src, "dst": dst, "embedding": embedding}

def reference(src, dst, embedding):
    # tf.gather(self.embedding, src) -> jnp.take(embedding, src, axis=0)
    src_emb = jnp.take(embedding, src, axis=0)
    dst_emb = jnp.take(embedding, dst, axis=0)
    # tf.norm(x, ord=1, axis=1) == sum(|x|, axis=1)
    return jnp.sum(jnp.abs(src_emb - dst_emb), axis=1)

if __name__ == "__main__":
    import jax
    _d = setup_inputs()
    print(jax.jit(kernel)(*tuple(_d.values())))

</pallas_src>

<mosaic_0001>
#map = affine_map<(d0, d1) -> (0)>
#map1 = affine_map<(d0, d1) -> (0, 0)>
module attributes {stable_mosaic.version = 14 : i64} {
  func.func @emb_l1_sc(%arg0: i32, %arg1: i32, %arg2: memref<1000000xi32, #tpu.memory_space<hbm>>, %arg3: memref<1000000xi32, #tpu.memory_space<hbm>>, %arg4: memref<1000000x64xf32, #tpu.memory_space<hbm>>, %arg5: memref<1000000xf32, #tpu.memory_space<hbm>>, %arg6: memref<320xi32, #tpu.memory_space<vmem>>, %arg7: memref<320xi32, #tpu.memory_space<vmem>>, %arg8: memref<320x64xf32, #tpu.memory_space<vmem>>, %arg9: memref<320x64xf32, #tpu.memory_space<vmem>>, %arg10: memref<320xf32, #tpu.memory_space<vmem>>, %arg11: memref<!tpu.dma_semaphore, #tpu.memory_space<semaphore_mem>>) attributes {dimension_semantics = [#tpu.dimension_semantics<core_parallel>, #tpu.dimension_semantics<subcore_parallel>], iteration_bounds = array<i64: 2, 16>, scalar_prefetch = 0 : i64, scratch_operands = 6 : i64, tpu.core_type = #tpu.core_type<sc_vector_subcore>, window_params = [{transform_indices = #map}, {transform_indices = #map}, {transform_indices = #map1}, {transform_indices = #map}]} {
    %mul3A = arith.constant 2 : i32
    %mul3A_0 = arith.muli %arg1, %mul3A : i32
    %add3A = arith.addi %mul3A_0, %arg0 : i32
    %iota3A = tpu.iota {dimensions = array<i32: 0>} : vector<16xi32>
    %scan3A = arith.constant 0 : i32
    %scan3A_1 = arith.constant 0 : i32
    %scan3A_2 = arith.constant 98 : i32
    %scan3A_3 = arith.addi %scan3A_1, %scan3A_2 : i32
    %scan3A_4 = arith.constant 1 : i32
    %scan3A_5 = scf.for %scan3A_7 = %scan3A_1 to %scan3A_3 step %scan3A_4 iter_args(%scan3A_8 = %scan3A) -> (i32)  : i32 {
      %mul3A_9 = arith.constant 32 : i32
      %mul3A_10 = arith.muli %scan3A_7, %mul3A_9 : i32
      %add3A_11 = arith.addi %add3A, %mul3A_10 : i32
      %lt3A = arith.constant 3125 : i32
      %lt3A_12 = arith.cmpi slt, %add3A_11, %lt3A : i32
      %convert_element_type3A = arith.extui %lt3A_12 : i1 to i32
      %cond3A = arith.constant 0 : i32
      %cond3A_13 = arith.cmpi ne, %convert_element_type3A, %cond3A : i32
      scf.if %cond3A_13 {
        %mul3A_15 = arith.constant 320 : i32
        %mul3A_16 = arith.muli %add3A_11, %mul3A_15 : i32
        "tpu.region"() ({
          %run_scoped3A = tpu.sem_alloc : memref<!tpu.dma_semaphore, #tpu.memory_space<semaphore_mem>>
          %dma_start3A_150 = tpu.memref_slice %arg2[%mul3A_16] : memref<1000000xi32, #tpu.memory_space<hbm>> -> memref<320xi32, #tpu.memory_space<hbm>>
          %dma_start3A_151 = tpu.memref_slice %arg2[%mul3A_16] : memref<1000000xi32, #tpu.memory_space<hbm>> -> memref<320xi32, #tpu.memory_space<hbm>>
          tpu.enqueue_dma source(%dma_start3A_151 : memref<320xi32, #tpu.memory_space<hbm>>) target(%arg6 : memref<320xi32, #tpu.memory_space<vmem>>) target_semaphore(%run_scoped3A : memref<!tpu.dma_semaphore, #tpu.memory_space<semaphore_mem>>)
          %dma_wait3A_152 = tpu.memref_slice %arg2[%mul3A_16] : memref<1000000xi32, #tpu.memory_space<hbm>> -> memref<320xi32, #tpu.memory_space<hbm>>
          %dma_wait3A_153 = tpu.memref_slice %arg2[%mul3A_16] : memref<1000000xi32, #tpu.memory_space<hbm>> -> memref<320xi32, #tpu.memory_space<hbm>>
          tpu.wait_dma2 semaphore(%run_scoped3A : memref<!tpu.dma_semaphore, #tpu.memory_space<semaphore_mem>>) src(%dma_wait3A_153 : memref<320xi32, #tpu.memory_space<hbm>>) dst(%arg6 : memref<320xi32, #tpu.memory_space<vmem>>)
          tpu.yield
        }) : () -> ()
        "tpu.region"() ({
          %run_scoped3A = tpu.sem_alloc : memref<!tpu.dma_semaphore, #tpu.memory_space<semaphore_mem>>
          %dma_start3A_150 = tpu.memref_slice %arg3[%mul3A_16] : memref<1000000xi32, #tpu.memory_space<hbm>> -> memref<320xi32, #tpu.memory_space<hbm>>
          %dma_start3A_151 = tpu.memref_slice %arg3[%mul3A_16] : memref<1000000xi32, #tpu.memory_space<hbm>> -> memref<320xi32, #tpu.memory_space<hbm>>
          tpu.enqueue_dma source(%dma_start3A_151 : memref<320xi32, #tpu.memory_space<hbm>>) target(%arg7 : memref<320xi32, #tpu.memory_space<vmem>>) target_semaphore(%run_scoped3A : memref<!tpu.dma_semaphore, #tpu.memory_space<semaphore_mem>>)
          %dma_wait3A_152 = tpu.memref_slice %arg3[%mul3A_16] : memref<1000000xi32, #tpu.memory_space<hbm>> -> memref<320xi32, #tpu.memory_space<hbm>>
          %dma_wait3A_153 = tpu.memref_slice %arg3[%mul3A_16] : memref<1000000xi32, #tpu.memory_space<hbm>> -> memref<320xi32, #tpu.memory_space<hbm>>
          tpu.wait_dma2 semaphore(%run_scoped3A : memref<!tpu.dma_semaphore, #tpu.memory_space<semaphore_mem>>) src(%dma_wait3A_153 : memref<320xi32, #tpu.memory_space<hbm>>) dst(%arg7 : memref<320xi32, #tpu.memory_space<vmem>>)
          tpu.yield
        }) : () -> ()
        %dma_start3A = arith.constant 0 : i32
        %dma_start3A_17 = arith.constant 0 : i32
        %dma_start3A_18 = tpu.memref_slice %arg8[%dma_start3A, %dma_start3A_17] : memref<320x64xf32, #tpu.memory_space<vmem>> -> memref<80x64xf32, #tpu.memory_space<vmem>>
        %dma_start3A_19 = arith.constant 0 : i32
        %dma_start3A_20 = tpu.memref_slice %arg6[%dma_start3A_19] : memref<320xi32, #tpu.memory_space<vmem>> -> memref<80xi32, #tpu.memory_space<vmem>>
        %dma_start3A_21 = arith.constant 0 : i32
        %dma_start3A_22 = arith.constant 0 : i32
        %dma_start3A_23 = tpu.memref_slice %arg4[%dma_start3A_21, %dma_start3A_22] : memref<1000000x64xf32, #tpu.memory_space<hbm>> -> memref<1000000x64xf32, #tpu.memory_space<hbm>>
        tpu.enqueue_indirect_dma source(%dma_start3A_23 : memref<1000000x64xf32, #tpu.memory_space<hbm>>) target(%dma_start3A_18 : memref<80x64xf32, #tpu.memory_space<vmem>>) offsets(%dma_start3A_20 : memref<80xi32, #tpu.memory_space<vmem>>) semaphore(%arg11 : memref<!tpu.dma_semaphore, #tpu.memory_space<semaphore_mem>>)
        %dma_start3A_24 = arith.constant 0 : i32
        %dma_start3A_25 = arith.constant 0 : i32
        %dma_start3A_26 = tpu.memref_slice %arg9[%dma_start3A_24, %dma_start3A_25] : memref<320x64xf32, #tpu.memory_space<vmem>> -> memref<80x64xf32, #tpu.memory_space<vmem>>
        %dma_start3A_27 = arith.constant 0 : i32
        %dma_start3A_28 = tpu.memref_slice %arg7[%dma_start3A_27] : memref<320xi32, #tpu.memory_space<vmem>> -> memref<80xi32, #tpu.memory_space<vmem>>
        %dma_start3A_29 = arith.constant 0 : i32
        %dma_start3A_30 = arith.constant 0 : i32
        %dma_start3A_31 = tpu.memref_slice %arg4[%dma_start3A_29, %dma_start3A_30] : memref<1000000x64xf32, #tpu.memory_space<hbm>> -> memref<1000000x64xf32, #tpu.memory_space<hbm>>
        tpu.enqueue_indirect_dma source(%dma_start3A_31 : memref<1000000x64xf32, #tpu.memory_space<hbm>>) target(%dma_start3A_26 : memref<80x64xf32, #tpu.memory_space<vmem>>) offsets(%dma_start3A_28 : memref<80xi32, #tpu.memory_space<vmem>>) semaphore(%arg11 : memref<!tpu.dma_semaphore, #tpu.memory_space<semaphore_mem>>)
        %dma_start3A_32 = arith.constant 80 : i32
        %dma_start3A_33 = arith.constant 0 : i32
        %dma_start3A_34 = tpu.memref_slice %arg8[%dma_start3A_32, %dma_start3A_33] : memref<320x64xf32, #tpu.memory_space<vmem>> -> memref<80x64xf32, #tpu.memory_space<vmem>>
        %dma_start3A_35 = arith.constant 80 : i32
        %dma_start3A_36 = tpu.memref_slice %arg6[%dma_start3A_35] : memref<320xi32, #tpu.memory_space<vmem>> -> memref<80xi32, #tpu.memory_space<vmem>>
        %dma_start3A_37 = arith.constant 0 : i32
        %dma_start3A_38 = arith.constant 0 : i32
        %dma_start3A_39 = tpu.memref_slice %arg4[%dma_start3A_37, %dma_start3A_38] : memref<1000000x64xf32, #tpu.memory_space<hbm>> -> memref<1000000x64xf32, #tpu.memory_space<hbm>>
        tpu.enqueue_indirect_dma source(%dma_start3A_39 : memref<1000000x64xf32, #tpu.memory_space<hbm>>) target(%dma_start3A_34 : memref<80x64xf32, #tpu.memory_space<vmem>>) offsets(%dma_start3A_36 : memref<80xi32, #tpu.memory_space<vmem>>) semaphore(%arg11 : memref<!tpu.dma_semaphore, #tpu.memory_space<semaphore_mem>>)
        %dma_start3A_40 = arith.constant 80 : i32
        %dma_start3A_41 = arith.constant 0 : i32
        %dma_start3A_42 = tpu.memref_slice %arg9[%dma_start3A_40, %dma_start3A_41] : memref<320x64xf32, #tpu.memory_space<vmem>> -> memref<80x64xf32, #tpu.memory_space<vmem>>
        %dma_start3A_43 = arith.constant 80 : i32
        %dma_start3A_44 = tpu.memref_slice %arg7[%dma_start3A_43] : memref<320xi32, #tpu.memory_space<vmem>> -> memref<80xi32, #tpu.memory_space<vmem>>
        %dma_start3A_45 = arith.constant 0 : i32
        %dma_start3A_46 = arith.constant 0 : i32
        %dma_start3A_47 = tpu.memref_slice %arg4[%dma_start3A_45, %dma_start3A_46] : memref<1000000x64xf32, #tpu.memory_space<hbm>> -> memref<1000000x64xf32, #tpu.memory_space<hbm>>
        tpu.enqueue_indirect_dma source(%dma_start3A_47 : memref<1000000x64xf32, #tpu.memory_space<hbm>>) target(%dma_start3A_42 : memref<80x64xf32, #tpu.memory_space<vmem>>) offsets(%dma_start3A_44 : memref<80xi32, #tpu.memory_space<vmem>>) semaphore(%arg11 : memref<!tpu.dma_semaphore, #tpu.memory_space<semaphore_mem>>)
        %dma_start3A_48 = arith.constant 160 : i32
        %dma_start3A_49 = arith.constant 0 : i32
        %dma_start3A_50 = tpu.memref_slice %arg8[%dma_start3A_48, %dma_start3A_49] : memref<320x64xf32, #tpu.memory_space<vmem>> -> memref<80x64xf32, #tpu.memory_space<vmem>>
        %dma_start3A_51 = arith.constant 160 : i32
        %dma_start3A_52 = tpu.memref_slice %arg6[%dma_start3A_51] : memref<320xi32, #tpu.memory_space<vmem>> -> memref<80xi32, #tpu.memory_space<vmem>>
        %dma_start3A_53 = arith.constant 0 : i32
        %dma_start3A_54 = arith.constant 0 : i32
        %dma_start3A_55 = tpu.memref_slice %arg4[%dma_start3A_53, %dma_start3A_54] : memref<1000000x64xf32, #tpu.memory_space<hbm>> -> memref<1000000x64xf32, #tpu.memory_space<hbm>>
        tpu.enqueue_indirect_dma source(%dma_start3A_55 : memref<1000000x64xf32, #tpu.memory_space<hbm>>) target(%dma_start3A_50 : memref<80x64xf32, #tpu.memory_space<vmem>>) offsets(%dma_start3A_52 : memref<80xi32, #tpu.memory_space<vmem>>) semaphore(%arg11 : memref<!tpu.dma_semaphore, #tpu.memory_space<semaphore_mem>>)
        %dma_start3A_56 = arith.constant 160 : i32
        %dma_start3A_57 = arith.constant 0 : i32
        %dma_start3A_58 = tpu.memref_slice %arg9[%dma_start3A_56, %dma_start3A_57] : memref<320x64xf32, #tpu.memory_space<vmem>> -> memref<80x64xf32, #tpu.memory_space<vmem>>
        %dma_start3A_59 = arith.constant 160 : i32
        %dma_start3A_60 = tpu.memref_slice %arg7[%dma_start3A_59] : memref<320xi32, #tpu.memory_space<vmem>> -> memref<80xi32, #tpu.memory_space<vmem>>
        %dma_start3A_61 = arith.constant 0 : i32
        %dma_start3A_62 = arith.constant 0 : i32
        %dma_start3A_63 = tpu.memref_slice %arg4[%dma_start3A_61, %dma_start3A_62] : memref<1000000x64xf32, #tpu.memory_space<hbm>> -> memref<1000000x64xf32, #tpu.memory_space<hbm>>
        tpu.enqueue_indirect_dma source(%dma_start3A_63 : memref<1000000x64xf32, #tpu.memory_space<hbm>>) target(%dma_start3A_58 : memref<80x64xf32, #tpu.memory_space<vmem>>) offsets(%dma_start3A_60 : memref<80xi32, #tpu.memory_space<vmem>>) semaphore(%arg11 : memref<!tpu.dma_semaphore, #tpu.memory_space<semaphore_mem>>)
        %dma_start3A_64 = arith.constant 240 : i32
        %dma_start3A_65 = arith.constant 0 : i32
        %dma_start3A_66 = tpu.memref_slice %arg8[%dma_start3A_64, %dma_start3A_65] : memref<320x64xf32, #tpu.memory_space<vmem>> -> memref<80x64xf32, #tpu.memory_space<vmem>>
        %dma_start3A_67 = arith.constant 240 : i32
        %dma_start3A_68 = tpu.memref_slice %arg6[%dma_start3A_67] : memref<320xi32, #tpu.memory_space<vmem>> -> memref<80xi32, #tpu.memory_space<vmem>>
        %dma_start3A_69 = arith.constant 0 : i32
        %dma_start3A_70 = arith.constant 0 : i32
        %dma_start3A_71 = tpu.memref_slice %arg4[%dma_start3A_69, %dma_start3A_70] : memref<1000000x64xf32, #tpu.memory_space<hbm>> -> memref<1000000x64xf32, #tpu.memory_space<hbm>>
        tpu.enqueue_indirect_dma source(%dma_start3A_71 : memref<1000000x64xf32, #tpu.memory_space<hbm>>) target(%dma_start3A_66 : memref<80x64xf32, #tpu.memory_space<vmem>>) offsets(%dma_start3A_68 : memref<80xi32, #tpu.memory_space<vmem>>) semaphore(%arg11 : memref<!tpu.dma_semaphore, #tpu.memory_space<semaphore_mem>>)
        %dma_start3A_72 = arith.constant 240 : i32
        %dma_start3A_73 = arith.constant 0 : i32
        %dma_start3A_74 = tpu.memref_slice %arg9[%dma_start3A_72, %dma_start3A_73] : memref<320x64xf32, #tpu.memory_space<vmem>> -> memref<80x64xf32, #tpu.memory_space<vmem>>
        %dma_start3A_75 = arith.constant 240 : i32
        %dma_start3A_76 = tpu.memref_slice %arg7[%dma_start3A_75] : memref<320xi32, #tpu.memory_space<vmem>> -> memref<80xi32, #tpu.memory_space<vmem>>
        %dma_start3A_77 = arith.constant 0 : i32
        %dma_start3A_78 = arith.constant 0 : i32
        %dma_start3A_79 = tpu.memref_slice %arg4[%dma_start3A_77, %dma_start3A_78] : memref<1000000x64xf32, #tpu.memory_space<hbm>> -> memref<1000000x64xf32, #tpu.memory_space<hbm>>
        tpu.enqueue_indirect_dma source(%dma_start3A_79 : memref<1000000x64xf32, #tpu.memory_space<hbm>>) target(%dma_start3A_74 : memref<80x64xf32, #tpu.memory_space<vmem>>) offsets(%dma_start3A_76 : memref<80xi32, #tpu.memory_space<vmem>>) semaphore(%arg11 : memref<!tpu.dma_semaphore, #tpu.memory_space<semaphore_mem>>)
        %dma_wait3A = arith.constant 0 : i32
        %dma_wait3A_80 = arith.constant 0 : i32
        %dma_wait3A_81 = tpu.memref_slice %arg8[%dma_wait3A, %dma_wait3A_80] : memref<320x64xf32, #tpu.memory_space<vmem>> -> memref<80x64xf32, #tpu.memory_space<vmem>>
        %dma_wait3A_82 = arith.constant 0 : i32
        %dma_wait3A_83 = tpu.memref_slice %arg6[%dma_wait3A_82] : memref<320xi32, #tpu.memory_space<vmem>> -> memref<80xi32, #tpu.memory_space<vmem>>
        %dma_wait3A_84 = arith.constant 0 : i32
        %dma_wait3A_85 = arith.constant 0 : i32
        %dma_wait3A_86 = tpu.memref_slice %arg4[%dma_wait3A_84, %dma_wait3A_85] : memref<1000000x64xf32, #tpu.memory_space<hbm>> -> memref<1000000x64xf32, #tpu.memory_space<hbm>>
        tpu.wait_indirect_dma semaphore(%arg11 : memref<!tpu.dma_semaphore, #tpu.memory_space<semaphore_mem>>) src(%dma_wait3A_86 : memref<1000000x64xf32, #tpu.memory_space<hbm>>) dst(%dma_wait3A_81 : memref<80x64xf32, #tpu.memory_space<vmem>>)
        %dma_wait3A_87 = arith.constant 0 : i32
        %dma_wait3A_88 = arith.constant 0 : i32
        %dma_wait3A_89 = tpu.memref_slice %arg9[%dma_wait3A_87, %dma_wait3A_88] : memref<320x64xf32, #tpu.memory_space<vmem>> -> memref<80x64xf32, #tpu.memory_space<vmem>>
        %dma_wait3A_90 = arith.constant 0 : i32
        %dma_wait3A_91 = tpu.memref_slice %arg7[%dma_wait3A_90] : memref<320xi32, #tpu.memory_space<vmem>> -> memref<80xi32, #tpu.memory_space<vmem>>
        %dma_wait3A_92 = arith.constant 0 : i32
        %dma_wait3A_93 = arith.constant 0 : i32
        %dma_wait3A_94 = tpu.memref_slice %arg4[%dma_wait3A_92, %dma_wait3A_93] : memref<1000000x64xf32, #tpu.memory_space<hbm>> -> memref<1000000x64xf32, #tpu.memory_space<hbm>>
        tpu.wait_indirect_dma semaphore(%arg11 : memref<!tpu.dma_semaphore, #tpu.memory_space<semaphore_mem>>) src(%dma_wait3A_94 : memref<1000000x64xf32, #tpu.memory_space<hbm>>) dst(%dma_wait3A_89 : memref<80x64xf32, #tpu.memory_space<vmem>>)
        %dma_wait3A_95 = arith.constant 80 : i32
        %dma_wait3A_96 = arith.constant 0 : i32
        %dma_wait3A_97 = tpu.memref_slice %arg8[%dma_wait3A_95, %dma_wait3A_96] : memref<320x64xf32, #tpu.memory_space<vmem>> -> memref<80x64xf32, #tpu.memory_space<vmem>>
        %dma_wait3A_98 = arith.constant 80 : i32
        %dma_wait3A_99 = tpu.memref_slice %arg6[%dma_wait3A_98] : memref<320xi32, #tpu.memory_space<vmem>> -> memref<80xi32, #tpu.memory_space<vmem>>
        %dma_wait3A_100 = arith.constant 0 : i32
        %dma_wait3A_101 = arith.constant 0 : i32
        %dma_wait3A_102 = tpu.memref_slice %arg4[%dma_wait3A_100, %dma_wait3A_101] : memref<1000000x64xf32, #tpu.memory_space<hbm>> -> memref<1000000x64xf32, #tpu.memory_space<hbm>>
        tpu.wait_indirect_dma semaphore(%arg11 : memref<!tpu.dma_semaphore, #tpu.memory_space<semaphore_mem>>) src(%dma_wait3A_102 : memref<1000000x64xf32, #tpu.memory_space<hbm>>) dst(%dma_wait3A_97 : memref<80x64xf32, #tpu.memory_space<vmem>>)
        %dma_wait3A_103 = arith.constant 80 : i32
        %dma_wait3A_104 = arith.constant 0 : i32
        %dma_wait3A_105 = tpu.memref_slice %arg9[%dma_wait3A_103, %dma_wait3A_104] : memref<320x64xf32, #tpu.memory_space<vmem>> -> memref<80x64xf32, #tpu.memory_space<vmem>>
        %dma_wait3A_106 = arith.constant 80 : i32
        %dma_wait3A_107 = tpu.memref_slice %arg7[%dma_wait3A_106] : memref<320xi32, #tpu.memory_space<vmem>> -> memref<80xi32, #tpu.memory_space<vmem>>
        %dma_wait3A_108 = arith.constant 0 : i32
        %dma_wait3A_109 = arith.constant 0 : i32
        %dma_wait3A_110 = tpu.memref_slice %arg4[%dma_wait3A_108, %dma_wait3A_109] : memref<1000000x64xf32, #tpu.memory_space<hbm>> -> memref<1000000x64xf32, #tpu.memory_space<hbm>>
        tpu.wait_indirect_dma semaphore(%arg11 : memref<!tpu.dma_semaphore, #tpu.memory_space<semaphore_mem>>) src(%dma_wait3A_110 : memref<1000000x64xf32, #tpu.memory_space<hbm>>) dst(%dma_wait3A_105 : memref<80x64xf32, #tpu.memory_space<vmem>>)
        %dma_wait3A_111 = arith.constant 160 : i32
        %dma_wait3A_112 = arith.constant 0 : i32
        %dma_wait3A_113 = tpu.memref_slice %arg8[%dma_wait3A_111, %dma_wait3A_112] : memref<320x64xf32, #tpu.memory_space<vmem>> -> memref<80x64xf32, #tpu.memory_space<vmem>>
        %dma_wait3A_114 = arith.constant 160 : i32
        %dma_wait3A_115 = tpu.memref_slice %arg6[%dma_wait3A_114] : memref<320xi32, #tpu.memory_space<vmem>> -> memref<80xi32, #tpu.memory_space<vmem>>
        %dma_wait3A_116 = arith.constant 0 : i32
        %dma_wait3A_117 = arith.constant 0 : i32
        %dma_wait3A_118 = tpu.memref_slice %arg4[%dma_wait3A_116, %dma_wait3A_117] : memref<1000000x64xf32, #tpu.memory_space<hbm>> -> memref<1000000x64xf32, #tpu.memory_space<hbm>>
        tpu.wait_indirect_dma semaphore(%arg11 : memref<!tpu.dma_semaphore, #tpu.memory_space<semaphore_mem>>) src(%dma_wait3A_118 : memref<1000000x64xf32, #tpu.memory_space<hbm>>) dst(%dma_wait3A_113 : memref<80x64xf32, #tpu.memory_space<vmem>>)
        %dma_wait3A_119 = arith.constant 160 : i32
        %dma_wait3A_120 = arith.constant 0 : i32
        %dma_wait3A_121 = tpu.memref_slice %arg9[%dma_wait3A_119, %dma_wait3A_120] : memref<320x64xf32, #tpu.memory_space<vmem>> -> memref<80x64xf32, #tpu.memory_space<vmem>>
        %dma_wait3A_122 = arith.constant 160 : i32
        %dma_wait3A_123 = tpu.memref_slice %arg7[%dma_wait3A_122] : memref<320xi32, #tpu.memory_space<vmem>> -> memref<80xi32, #tpu.memory_space<vmem>>
        %dma_wait3A_124 = arith.constant 0 : i32
        %dma_wait3A_125 = arith.constant 0 : i32
        %dma_wait3A_126 = tpu.memref_slice %arg4[%dma_wait3A_124, %dma_wait3A_125] : memref<1000000x64xf32, #tpu.memory_space<hbm>> -> memref<1000000x64xf32, #tpu.memory_space<hbm>>
        tpu.wait_indirect_dma semaphore(%arg11 : memref<!tpu.dma_semaphore, #tpu.memory_space<semaphore_mem>>) src(%dma_wait3A_126 : memref<1000000x64xf32, #tpu.memory_space<hbm>>) dst(%dma_wait3A_121 : memref<80x64xf32, #tpu.memory_space<vmem>>)
        %dma_wait3A_127 = arith.constant 240 : i32
        %dma_wait3A_128 = arith.constant 0 : i32
        %dma_wait3A_129 = tpu.memref_slice %arg8[%dma_wait3A_127, %dma_wait3A_128] : memref<320x64xf32, #tpu.memory_space<vmem>> -> memref<80x64xf32, #tpu.memory_space<vmem>>
        %dma_wait3A_130 = arith.constant 240 : i32
        %dma_wait3A_131 = tpu.memref_slice %arg6[%dma_wait3A_130] : memref<320xi32, #tpu.memory_space<vmem>> -> memref<80xi32, #tpu.memory_space<vmem>>
        %dma_wait3A_132 = arith.constant 0 : i32
        %dma_wait3A_133 = arith.constant 0 : i32
        %dma_wait3A_134 = tpu.memref_slice %arg4[%dma_wait3A_132, %dma_wait3A_133] : memref<1000000x64xf32, #tpu.memory_space<hbm>> -> memref<1000000x64xf32, #tpu.memory_space<hbm>>
        tpu.wait_indirect_dma semaphore(%arg11 : memref<!tpu.dma_semaphore, #tpu.memory_space<semaphore_mem>>) src(%dma_wait3A_134 : memref<1000000x64xf32, #tpu.memory_space<hbm>>) dst(%dma_wait3A_129 : memref<80x64xf32, #tpu.memory_space<vmem>>)
        %dma_wait3A_135 = arith.constant 240 : i32
        %dma_wait3A_136 = arith.constant 0 : i32
        %dma_wait3A_137 = tpu.memref_slice %arg9[%dma_wait3A_135, %dma_wait3A_136] : memref<320x64xf32, #tpu.memory_space<vmem>> -> memref<80x64xf32, #tpu.memory_space<vmem>>
        %dma_wait3A_138 = arith.constant 240 : i32
        %dma_wait3A_139 = tpu.memref_slice %arg7[%dma_wait3A_138] : memref<320xi32, #tpu.memory_space<vmem>> -> memref<80xi32, #tpu.memory_space<vmem>>
        %dma_wait3A_140 = arith.constant 0 : i32
        %dma_wait3A_141 = arith.constant 0 : i32
        %dma_wait3A_142 = tpu.memref_slice %arg4[%dma_wait3A_140, %dma_wait3A_141] : memref<1000000x64xf32, #tpu.memory_space<hbm>> -> memref<1000000x64xf32, #tpu.memory_space<hbm>>
        tpu.wait_indirect_dma semaphore(%arg11 : memref<!tpu.dma_semaphore, #tpu.memory_space<semaphore_mem>>) src(%dma_wait3A_142 : memref<1000000x64xf32, #tpu.memory_space<hbm>>) dst(%dma_wait3A_137 : memref<80x64xf32, #tpu.memory_space<vmem>>)
        %scan3A_143 = arith.constant 0 : i32
        %scan3A_144 = arith.constant 0 : i32
        %scan3A_145 = arith.constant 320 : i32
        %scan3A_146 = arith.addi %scan3A_144, %scan3A_145 : i32
        %scan3A_147 = arith.constant 1 : i32
        %scan3A_148 = scf.for %scan3A_150 = %scan3A_144 to %scan3A_146 step %scan3A_147 iter_args(%scan3A_151 = %scan3A_143) -> (i32)  : i32 {
          %broadcast_in_dim3A = arith.constant 0.000000e+00 : f32
          %broadcast_in_dim3A_152 = vector.broadcast %broadcast_in_dim3A : f32 to vector<16xf32>
          %get3A = arith.index_cast %scan3A_150 : i32 to index
          %get3A_153 = arith.constant 0 : index
          %get3A_154 = tpu.vector_load %arg8[%get3A, %get3A_153] {strides = array<i32>} : memref<320x64xf32, #tpu.memory_space<vmem>>, vector<16xf32>,
          %get3A_155 = arith.index_cast %scan3A_150 : i32 to index
          %get3A_156 = arith.constant 0 : index
          %get3A_157 = tpu.vector_load %arg9[%get3A_155, %get3A_156] {strides = array<i32>} : memref<320x64xf32, #tpu.memory_space<vmem>>, vector<16xf32>,
          %sub3A = arith.subf %get3A_154, %get3A_157 : vector<16xf32>
          %abs3A = math.absf %sub3A : vector<16xf32>
          %add3A_158 = arith.addf %broadcast_in_dim3A_152, %abs3A : vector<16xf32>
          %get3A_159 = arith.index_cast %scan3A_150 : i32 to index
          %get3A_160 = arith.constant 16 : index
          %get3A_161 = tpu.vector_load %arg8[%get3A_159, %get3A_160] {strides = array<i32>} : memref<320x64xf32, #tpu.memory_space<vmem>>, vector<16xf32>,
          %get3A_162 = arith.index_cast %scan3A_150 : i32 to index
          %get3A_163 = arith.constant 16 : index
          %get3A_164 = tpu.vector_load %arg9[%get3A_162, %get3A_163] {strides = array<i32>} : memref<320x64xf32, #tpu.memory_space<vmem>>, vector<16xf32>,
          %sub3A_165 = arith.subf %get3A_161, %get3A_164 : vector<16xf32>
          %abs3A_166 = math.absf %sub3A_165 : vector<16xf32>
          %add3A_167 = arith.addf %add3A_158, %abs3A_166 : vector<16xf32>
          %get3A_168 = arith.index_cast %scan3A_150 : i32 to index
          %get3A_169 = arith.constant 32 : index
          %get3A_170 = tpu.vector_load %arg8[%get3A_168, %get3A_169] {strides = array<i32>} : memref<320x64xf32, #tpu.memory_space<vmem>>, vector<16xf32>,
          %get3A_171 = arith.index_cast %scan3A_150 : i32 to index
          %get3A_172 = arith.constant 32 : index
          %get3A_173 = tpu.vector_load %arg9[%get3A_171, %get3A_172] {strides = array<i32>} : memref<320x64xf32, #tpu.memory_space<vmem>>, vector<16xf32>,
          %sub3A_174 = arith.subf %get3A_170, %get3A_173 : vector<16xf32>
          %abs3A_175 = math.absf %sub3A_174 : vector<16xf32>
          %add3A_176 = arith.addf %add3A_167, %abs3A_175 : vector<16xf32>
          %get3A_177 = arith.index_cast %scan3A_150 : i32 to index
          %get3A_178 = arith.constant 48 : index
          %get3A_179 = tpu.vector_load %arg8[%get3A_177, %get3A_178] {strides = array<i32>} : memref<320x64xf32, #tpu.memory_space<vmem>>, vector<16xf32>,
          %get3A_180 = arith.index_cast %scan3A_150 : i32 to index
          %get3A_181 = arith.constant 48 : index
          %get3A_182 = tpu.vector_load %arg9[%get3A_180, %get3A_181] {strides = array<i32>} : memref<320x64xf32, #tpu.memory_space<vmem>>, vector<16xf32>,
          %sub3A_183 = arith.subf %get3A_179, %get3A_182 : vector<16xf32>
          %abs3A_184 = math.absf %sub3A_183 : vector<16xf32>
          %add3A_185 = arith.addf %add3A_176, %abs3A_184 : vector<16xf32>
          %reduce_sum3A = arith.constant true
          %reduce_sum3A_186 = vector.broadcast %reduce_sum3A : i1 to vector<16xi1>
          %reduce_sum3A_187 = tpu.scan <sum>, %add3A_185 masked %reduce_sum3A_186 : vector<16xf32>, vector<16xi1> -> vector<16xf32>
          %reduce_sum3A_188 = vector.extract %reduce_sum3A_187[15] : f32 from vector<16xf32>
          %broadcast_in_dim3A_189 = vector.broadcast %scan3A_150 : i32 to vector<16xi32>
          %broadcast_in_dim3A_190 = vector.broadcast %reduce_sum3A_188 : f32 to vector<16xf32>
          %eq3A = arith.constant 0 : i32
          %eq3A_191 = vector.broadcast %eq3A : i32 to vector<16xi32>
          %eq3A_192 = arith.cmpi eq, %iota3A, %eq3A_191 : vector<16xi32>
          tpu.vector_store_idx %arg10[%broadcast_in_dim3A_189], %broadcast_in_dim3A_190 masked %eq3A_192 : memref<320xf32, #tpu.memory_space<vmem>>[vector<16xi32>], vector<16xf32>, vector<16xi1>
          %scan3A_193 = arith.constant 0 : i32
          scf.yield %scan3A_193 : i32
        }
        %scan3A_149 = arith.constant 320 : i32
        "tpu.region"() ({
          %run_scoped3A = tpu.sem_alloc : memref<!tpu.dma_semaphore, #tpu.memory_space<semaphore_mem>>
          %dma_start3A_150 = tpu.memref_slice %arg5[%mul3A_16] : memref<1000000xf32, #tpu.memory_space<hbm>> -> memref<320xf32, #tpu.memory_space<hbm>>
          %dma_start3A_151 = tpu.memref_slice %arg5[%mul3A_16] : memref<1000000xf32, #tpu.memory_space<hbm>> -> memref<320xf32, #tpu.memory_space<hbm>>
          tpu.enqueue_dma source(%arg10 : memref<320xf32, #tpu.memory_space<vmem>>) target(%dma_start3A_151 : memref<320xf32, #tpu.memory_space<hbm>>) target_semaphore(%run_scoped3A : memref<!tpu.dma_semaphore, #tpu.memory_space<semaphore_mem>>)
          %dma_wait3A_152 = tpu.memref_slice %arg5[%mul3A_16] : memref<1000000xf32, #tpu.memory_space<hbm>> -> memref<320xf32, #tpu.memory_space<hbm>>
          %dma_wait3A_153 = tpu.memref_slice %arg5[%mul3A_16] : memref<1000000xf32, #tpu.memory_space<hbm>> -> memref<320xf32, #tpu.memory_space<hbm>>
          tpu.wait_dma2 semaphore(%run_scoped3A : memref<!tpu.dma_semaphore, #tpu.memory_space<semaphore_mem>>) src(%arg10 : memref<320xf32, #tpu.memory_space<vmem>>) dst(%dma_wait3A_153 : memref<320xf32, #tpu.memory_space<hbm>>)
          tpu.yield
        }) : () -> ()
      } else {
      }
      %scan3A_14 = arith.constant 0 : i32
      scf.yield %scan3A_14 : i32
    }
    %scan3A_6 = arith.constant 98 : i32
    return
  }
}

</mosaic_0001>

<sc_bundles>
// kernel: emb_l1_sc.3.cloned.1.call-start
scs
__scs_entry_jumppad:
0x0: {  	(pc) =	sbr.rel $0x88, $3  }
0x1: {  	(tag) =	ssettag $0x0;
	lr =	simm.s32 $0x1  }
0x2: {  	[smem:$0x3F9E] =	sst lr;
	_ =	strace $0xD0000000  }
0x3: {  	_ = 	snop  }
0x4: {  	_ = 	snop  }
0x5: {  	_ = 	snop  }
0x6: {  	_ = 	snop  }
0x7: {  	_ = 	snop  }
__scs_overlays_trampoline_lowered:
0x8: {  	[smem:$0x3FAD] =	sst s0  }
0x9: {  	[smem:$0x3FAE] =	sst s1  }
0xa: {  	[smem:$0x3FAF] =	sst s2  }
0xb: {  	[smem:$0x3FB0] =	sst s3  }
0xc: {  	[smem:$0x3FB1] =	sst s4  }
0xd: {  	[smem:$0x3FB2] =	sst s5  }
0xe: {  	[smem:$0x3FB3] =	sst s6  }
0xf: {  	[smem:$0x3FB4] =	sst s7  }
0x10: {  	[smem:$0x3FB5] =	sst s8  }
0x11: {  	[smem:$0x3FB6] =	sst s9;
	s0 =	simm.s32 @!p0 $0x0  }
0x12: {  	s1 =	sld [smem:$0x3F9C];
	s0 =	simm.s32 @p0 $0x1  }
0x13: {  	[smem:$0x3FB7] =	sst s0;
	s0 =	simm.s32 @!p1 $0x0  }
0x14: {  	s2 =	sld [smem:$0x3F9B];
	s0 =	simm.s32 @p1 $0x1  }
0x15: {  	[smem:$0x3FB8] =	sst s0;
	s0 =	simm.s32 @!p2 $0x0  }
0x16: {  	s3 =	sld [smem:$0x3FDB];
	s0 =	simm.s32 @p2 $0x1  }
0x17: {  	s4 =	simm.s32 $0x1BF5;
	[smem:$0x3FBA] =	sst s0  }
0x18: {  	s0 =	sld [smem:$0x3F9D];
	_ =	swait.ge [sflag:s4], $0x0  }
0x19: {  	s7 =	sld [smem:$0x3F9E]  }
0x1a: {  	s8 =	sadd.s32 $0xFFFFE003, lr  }
0x1b: {  	s9 =	sadd.s32 $0xFFFFFEF7, lr;
	s5 =	simm.s32 $0xFFFFFFFF;
	p2 =	slt.u32 s8, $0xFFFFF086  }
0x1c: {  	p1 =	slt.u32 s9, $0xF7A;
	s5 =	simm.s32 @!p2 $0x0  }
0x1d: {  	s5 =	simm.s32 @p1 $0x1;
	p0 =	seq.s32 s7, s2  }
0x1e: {  	s7 =	smul.u32 @!p0 $0xF7A, s2;
	p2 =	seq.s32 @!p0 s5, $0x0  }
0x1f: {  	s9 =	smul.u32 $0xF7A, s1;
	s8 =	simm.s32 @!p0 $0x1BF5;
	p2 =	por !p2, p0  }
0x20: {  	[sflag:s8] =	ssyncset.s32 @!p0 $0xFFFFF086;
	s6 =	sadd.s32 @!p0 s3, s7;
	s7 =	simm.s32 @!p0 $0x108  }
0x21: {  	s3 =	sadd.s32 s3, s9;
	s6 =	sadd.s32 @!p0 $0x88, s6;
	s7 =	simm.s32 @p2 $0x1082  }
0x22: {  	[simem:s7], [sflag:s8] =	dma.local @!p0 [hbm:s6], $0xF7A  }
0x23: {  	s9 =	sor.u32 $0xD0000000, s2;
	s6 =	simm.s32 $0x108;
	_ =	swait.ge @!p0 [sflag:s8], $0x0  }
0x24: {  	s3 =	sadd.s32 $0x88, s3;
	s6 =	simm.s32 @!p1 $0x1082;
	[sflag:s4] =	ssyncset.s32 $0xFFFFF086  }
0x25: {  	[simem:s6], [sflag:s4] =	dma.local [hbm:s3], $0xF7A  }
0x26: {  	[smem:$0x3F9E] =	sst s1;
	(tag) =	ssettag s2;
	_ =	strace s9  }
0x27: {  	s1 =	sld [smem:$0x3FAE]  }
0x28: {  	s2 =	sld [smem:$0x3FAF]  }
0x29: {  	s4 =	sld [smem:$0x3FB1]  }
0x2a: {  	p0 =	seq.s32 s5, $0x0;
	s5 =	sld [smem:$0x3FB2]  }
0x2b: {  	s6 =	sld [smem:$0x3FB3]  }
0x2c: {  	s7 =	sld [smem:$0x3FB4]  }
0x2d: {  	s3 =	simm.s32 $0x108;
	s8 =	sld [smem:$0x3FB5]  }
0x2e: {  	s3 =	simm.s32 @!p0 $0x1082;
	s9 =	sld [smem:$0x3FB6]  }
0x2f: {  	lr =	sadd.s32 s0, s3;
	s0 =	sld [smem:$0x3FAD]  }
0x30: {  	s3 =	sld [smem:$0x3FB0]  }
0x31: {  	[smem:$0x3FB9] =	sst s10  }
0x32: {  	s10 =	sld [smem:$0x3FB7];
	_ =	sdelay $0x3  }
0x33: {  	p0 =	seq.s32 s10, $0x1;
	s10 =	sld [smem:$0x3FB9];
	_ =	sdelay $0x3  }
0x34: {  	[smem:$0x3FB9] =	sst s10  }
0x35: {  	s10 =	sld [smem:$0x3FB8];
	_ =	sdelay $0x3  }
0x36: {  	p1 =	seq.s32 s10, $0x1;
	s10 =	sld [smem:$0x3FB9];
	_ =	sdelay $0x3  }
0x37: {  	[smem:$0x3FB9] =	sst s10  }
0x38: {  	s10 =	sld [smem:$0x3FBA]  }
0x39: {  	_ = 	snop;
	(pc) =	sbr.ind lr, $3  }
0x3a: {  	_ = 	snop  }
0x3b: {  	_ = 	snop  }
0x3c: {  	p2 =	seq.s32 s10, $0x1;
	s10 =	sld [smem:$0x3FB9]  }
0x3d: {  	_ =	shalt  }
0x3e: {  	_ =	shalt  }
0x3f: {  	_ =	shalt  }
0x40: {  	_ =	shalt  }
0x41: {  	_ =	shalt  }
0x42: {  	_ =	shalt  }
0x43: {  	_ =	shalt  }
0x44: {  	_ =	shalt  }
0x45: {  	_ =	shalt  }
0x46: {  	_ =	shalt  }
0x47: {  	_ =	shalt  }
0x48: {  	_ =	shalt  }
0x49: {  	_ =	shalt  }
0x4a: {  	_ =	shalt  }
0x4b: {  	_ =	shalt  }
0x4c: {  	_ =	shalt  }
0x4d: {  	_ =	shalt  }
0x4e: {  	_ =	shalt  }
0x4f: {  	_ =	shalt  }
0x50: {  	_ =	shalt  }
0x51: {  	_ =	shalt  }
0x52: {  	_ =	shalt  }
0x53: {  	_ =	shalt  }
0x54: {  	_ =	shalt  }
0x55: {  	_ =	shalt  }
0x56: {  	_ =	shalt  }
0x57: {  	_ =	shalt  }
0x58: {  	_ =	shalt  }
0x59: {  	_ =	shalt  }
0x5a: {  	_ =	shalt  }
0x5b: {  	_ =	shalt  }
0x5c: {  	_ =	shalt  }
0x5d: {  	_ =	shalt  }
0x5e: {  	_ =	shalt  }
0x5f: {  	_ =	shalt  }
0x60: {  	_ =	shalt  }
0x61: {  	_ =	shalt  }
0x62: {  	_ =	shalt  }
0x63: {  	_ =	shalt  }
0x64: {  	_ =	shalt  }
0x65: {  	_ =	shalt  }
0x66: {  	_ =	shalt  }
0x67: {  	_ =	shalt  }
0x68: {  	_ =	shalt  }
0x69: {  	_ =	shalt  }
0x6a: {  	_ =	shalt  }
0x6b: {  	_ =	shalt  }
0x6c: {  	_ =	shalt  }
0x6d: {  	_ =	shalt  }
0x6e: {  	_ =	shalt  }
0x6f: {  	_ =	shalt  }
0x70: {  	_ =	shalt  }
0x71: {  	_ =	shalt  }
0x72: {  	_ =	shalt  }
0x73: {  	_ =	shalt  }
0x74: {  	_ =	shalt  }
0x75: {  	_ =	shalt  }
0x76: {  	_ =	shalt  }
0x77: {  	_ =	shalt  }
0x78: {  	_ =	shalt  }
0x79: {  	_ =	shalt  }
0x7a: {  	_ =	shalt  }
0x7b: {  	_ =	shalt  }
0x7c: {  	_ =	shalt  }
0x7d: {  	_ =	shalt  }
0x7e: {  	_ =	shalt  }
0x7f: {  	_ =	shalt  }
0x80: {  	_ =	shalt  }
0x81: {  	_ =	shalt  }
0x82: {  	_ =	shalt  }
0x83: {  	_ =	shalt  }
0x84: {  	_ =	shalt  }
0x85: {  	_ =	shalt  }
0x86: {  	_ =	shalt  }
0x87: {  	_ =	shalt  }
.Lfunc_end0:
.L_simem_size_0:
called_computation_lowered:
.L_overlay_start_0:
0x88: {  	s2 =	sld [smem:$0x3FD9]  }
0x89: {  	s3 =	sld [smem:$0x3FFE];
	_ =	sdelay $0x1  }
0x8a: {  	s1 =	srdreg.scid  }
0x8b: {  	s0 =	sand.u32 $0x1, s1  }
0x8c: {  	s17 =	sshll.u32 s0, $0xA;
	s2 =	sadd.s32 s3, s2  }
0x8d: {  	s2 =	sadd.s32 s2, s17  }
0x8e: {  	[smem:$0x3FC5] =	sst s2  }
0x8f: {  	_ = 	snop  }
0x90: {  	s2 =	sld [smem:$0x3FC9]  }
0x91: {  	s18 =	sld [smem:$0x3FC8]  }
0x92: {  	s4 =	sld [smem:$0x3FD0];
	(tm) =	ssettm $0x1  }
0x93: {  	s5 =	sld [smem:$0x3FFB];
	_ =	sdelay $0x3  }
0x94: {  	_ =	strace s5  }
0x95: {  	s5 =	sld [smem:$0x3FFC];
	_ =	sdelay $0x3  }
0x96: {  	_ =	strace s5  }
0x97: {  	s5 =	sld [smem:$0x3FFD];
	_ =	sdelay $0x3  }
0x98: {  	_ =	strace s5  }
0x99: {  	_ =	strace $0x8FFFFFFF  }
0x9a: {  	s19 =	sld [smem:$0x3FDB];
	_ =	sdelay $0x1  }
0x9b: {  	s6 =	simm.s32 $_scs_section_size  }
0x9c: {  	s7 =	simm.s32 $_size__tile_overlayer_lowered;
	s8 =	simm.s32 $_tile_overlayer_lowered  }
0x9d: {  	s22 =	simm.s32 $0x1BFF;
	s21 =	sshll.u32 s8, $0x1;
	s5 =	sadd.s32 s6, s19  }
0x9e: {  	s9 =	simm.s32 $0x0;
	s20 =	sshll.u32 s7, $0x1;
	s7 =	sadd.s32 s21, s5  }
0x9f: {  	[timem:s9], [sflag:s22] =	dma.local [hbm:s7], s20  }
0xa0: {  	_ =	swait.ge [sflag:s22], s20  }
0xa1: {  	s6 =	ssub.s32 $0x0, s20;
	[sflag:s22] =	ssyncset.done $0x0  }
0xa2: {  	[sflag:s22] =	ssyncadd.s32 s6;
	_ =	sdelay $0x1  }
0xa3: {  	s23 =	simm.s32 $0x1B8B  }
0xa4: {  	_ =	swait.ge [sflag:s23], $0x1  }
0xa5: {  	[sflag:s23] =	ssyncset.done $0x0  }
0xa6: {  	s25 =	simm.s32 $0x1B8E;
	s24 =	sld [smem:$0x3FFE];
	[sflag:s23] =	ssyncadd.s32 $0xFFFFFFFF  }
0xa7: {  	s26 =	simm.s32 $execute0_lowered;
	[smem:$0x3FD2] =	sst s25  }
0xa8: {  	s7 =	sshll.u32 s26, $0x1;
	_ =	strace $0x80000046;
	[dreg:$0x1] =	wrdreg $0xFFFFFFFF  }
0xa9: {  	s28 =	simm.s32 $_size_execute0_lowered;
	s5 =	sadd.s32 s5, s7;
	[dreg:$0x0] =	wrdreg $0x0  }
0xaa: {  	s7 =	sshll.u32 s28, $0x1;
	[dreg:$0x2] =	wrdreg s5  }
0xab: {  	[dreg:$0x3] =	wrdreg s7  }
0xac: {  	[dreg:$0x4] =	wrdreg $0xC0  }
0xad: {  	_ =	task [dreg:s9], $0x5FFFF  }
0xae: {  	[dreg:$0x1] =	wrdreg $0xFFFFFFFF  }
0xaf: {  	[dreg:$0x0] =	wrdreg $0x60  }
0xb0: {  	[dreg:$0x2] =	wrdreg s2  }
0xb1: {  	[dreg:$0x3] =	wrdreg s18  }
0xb2: {  	[dreg:$0x4] =	wrdreg s24  }
0xb3: {  	[dreg:$0x5] =	wrdreg s4  }
0xb4: {  	[dreg:$0x6] =	wrdreg $0x9  }
0xb5: {  	_ =	task.clear_ibuf [dreg:s9], $0x7FFFF;
	_ =	strace $0x90000046  }
0xb6: {  	s29 =	simm.s32 $0x9;
	_ =	strace $0x80000048  }
0xb7: {  	_ =	swait.ge [sflag:s29], $0x1  }
0xb8: {  	[sflag:s29] =	ssyncadd.s32 $0xFFFFFFFF  }
0xb9: {  	_ =	strace $0x90000048  }
0xba: {  	_ =	sfence  }
0xbb: {  	s30 =	sld [smem:$0x0];
	_ =	sdelay $0x2  }
0xbc: {  	s31 =	sshll.u32 s1, $0xD;
	s1 =	sshrl.u32 s1, $0x2  }
0xbd: {  	s3 =	sand.u32 $0x4000, s31;
	s1 =	sadd.s32 s1, s30  }
0xbe: {  	s0 =	sor.u32 s3, s0;
	s1 =	sshll.u32 s1, $0x11  }
0xbf: {  	s0 =	sor.u32 s1, s0  }
0xc0: {  	s0 =	sadd.s32 $0x8F2B, s0  }
0xc1: {  	[sflag:s0] =	ssyncadd.remote.s32 $0x1  }
0xc2: {  	_ =	sfence.sel $0xFFFF  }
0xc3: {  	[dreg:$0x0] =	wrdreg $0xFFFFFFFF;
	(pc) =	sbr.abs _section_cstart, $3  }
0xc4: {  	[dreg:$0x1] =	wrdreg $0xFFFFFFFF  }
0xc5: {  	_ =	task.clear_ibuf [dreg:s9], $0x2FFFF;
	_ =	strace $0x9FFFFFFF  }
0xc6: {  	(tm) =	ssettm $0x7FFFFFFF  }
0xc7: {  	_ =	shalt  }
tec
execute0_lowered:
.L_overlay_start_1:
0x0: {  	(tag) =	ssettag $0x1  }
0x1: {  	s0 =	rddreg [dreg:$0x2]  }
0x2: {  	s3 =	rddreg [dreg:$0x3];
	s1 =	srdreg.scid  }
0x3: {  	s4 =	simm.s32 $0x0;
	s5 =	stileid.u32;
	s10 =	simm.s32 $0x3  }
0x4: {  	s11 =	simm.s32 $0x140;
	s12 =	simm.s32 $0x50;
	s13 =	simm.s32 $0x280  }
0x5: {  	s14 =	simm.s32 $0x5280;
	s15 =	simm.s32 $0x1680;
	s16 =	simm.s32 $0x190  }
0x6: {  	s17 =	simm.s32 $0x6680;
	s18 =	simm.s32 $0xA0;
	s19 =	simm.s32 $0x2A80  }
0x7: {  	s20 =	simm.s32 $0x1E0;
	s21 =	simm.s32 $0x7A80;
	s22 =	simm.s32 $0xF0  }
0x8: {  	s23 =	simm.s32 $0x3E80;
	s24 =	simm.s32 $0x230;
	s6 =	sand.u32 $0x1, s1  }
.Ltmp0:
0x9: {  	s25 =	simm.s32 $0x8E80;
	s1 =	ssub.s32 $0x2, s6;
	(pc) =	sbr.rel .LBB2_1-.Ltmp0, $4  }
0xa: {  	s26 =	simm.s32 $0x1;
	s28 =	simm.s32 $0xA280;
	s2 =	sshrl.u32 s1, $0x1  }
0xb: {  	s29 =	simm.s32 $0x2;
	s30 =	simm.s32 $0x0;
	s31 =	ssub.s32 s1, s2  }
0xc: {  	[smem:$0x7FF] =	sst s4;
	s7 =	sadd.s32 $0xF42800, s0;
	s0 =	smax.u32 s31, $0x1  }
0xd: {  	s8 =	sshll.u32 s5, $0x1;
	_ =	strace $0x80000047;
	[dreg:$0x5] =	wrdreg s0  }
.LBB2_7:
0xe: {  	s30 =	sadd.s32 $0x1, s30;
	s0 =	rddreg [dreg:$0x5]  }
0xf: {  	p0 =	sne.s32 s30, s0  }
.Ltmp1:
0x10: {  	_ = 	snop;
	(pc) =	sbr.rel @!p0 .LBB2_8-.Ltmp1, $1  }
0x11: {  	_ =	sdelay $0x3  }
.LBB2_1:
.Ltmp2:
0x12: {  	(pc) =	sbr.rel .LBB2_2-.Ltmp2, $2  }
0x13: {  	_ =	sdelay $0x2  }
0x14: {  	s31 =	simm.s32 $0x0  }
.LBB2_6:
0x15: {  	s31 =	sadd.s32 $0x1, s31  }
0x16: {  	p0 =	sne.s32 s31, $0x62  }
.Ltmp3:
0x17: {  	_ = 	snop;
	(pc) =	sbr.rel @!p0 .LBB2_7-.Ltmp3, $1  }
0x18: {  	_ =	sdelay $0x3  }
.LBB2_2:
0x19: {  	s0 =	sshll.u32 s31, $0x5  }
0x1a: {  	s0 =	sor.u32 s0, s8  }
0x1b: {  	s0 =	sor.u32 s6, s0  }
0x1c: {  	p0 =	sgt.u32 s0, $0xC34  }
.Ltmp4:
0x1d: {  	_ = 	snop;
	(pc) =	sbr.rel @p0 .LBB2_6-.Ltmp4, $1  }
0x1e: {  	_ =	sdelay $0x3  }
0x1f: {  	s0 =	smul.u32 $0x28, s0  }
0x20: {  	s1 =	rddreg [dreg:$0x0]  }
0x21: {  	s5 =	simm.s32 $0x0;
	s1 =	sadd.s32 s1, s0  }
0x22: {  	[tilespmem:s5], [sflag:$0x3] =	stream.linear.gather [hbm4b:s1+s5], $0x140, $0x38;
	[tilespmem:$0xA3C0] =	vst v63  }
0x23: {  	_ =	swait.ge [sflag:s10], $0x140  }
0x24: {  	[sflag:s10] =	ssyncset.done $0x0  }
0x25: {  	[sflag:s10] =	ssyncadd.s32 $0xFFFFFEC0  }
0x26: {  	s9 =	rddreg [dreg:$0x1]  }
0x27: {  	s1 =	sadd.s32 s9, s0  }
0x28: {  	[tilespmem:s11], [sflag:$0x3] =	stream.linear.gather [hbm4b:s1+s5], $0x140, $0x38;
	[tilespmem:$0xA3C0] =	vst v63  }
0x29: {  	_ =	swait.ge [sflag:s10], $0x140  }
0x2a: {  	[sflag:s10] =	ssyncset.done $0x0  }
0x2b: {  	[sflag:s10] =	ssyncadd.s32 $0xFFFFFEC0  }
0x2c: {  	[tilespmem:s13], [sflag:$0x1] =	stream.indirect.gather [hbm4b:s7+s12], $0x40, s5, s12, $0xb8;
	[tilespmem:$0xA3C0] =	vst v63  }
0x2d: {  	_ = 	snop  }
0x2e: {  	[tilespmem:s14], [sflag:$0x1] =	stream.indirect.gather [hbm4b:s7+s12], $0x40, s11, s12, $0xb8;
	[tilespmem:$0xA3C0] =	vst v63  }
0x2f: {  	_ = 	snop  }
0x30: {  	[tilespmem:s15], [sflag:$0x1] =	stream.indirect.gather [hbm4b:s7+s12], $0x40, s12, s12, $0xb8;
	[tilespmem:$0xA3C0] =	vst v63  }
0x31: {  	_ = 	snop  }
0x32: {  	[tilespmem:s17], [sflag:$0x1] =	stream.indirect.gather [hbm4b:s7+s12], $0x40, s16, s12, $0xb8;
	[tilespmem:$0xA3C0] =	vst v63  }
0x33: {  	_ = 	snop  }
0x34: {  	[tilespmem:s19], [sflag:$0x1] =	stream.indirect.gather [hbm4b:s7+s12], $0x40, s18, s12, $0xb8;
	[tilespmem:$0xA3C0] =	vst v63  }
0x35: {  	_ = 	snop  }
0x36: {  	[tilespmem:s21], [sflag:$0x1] =	stream.indirect.gather [hbm4b:s7+s12], $0x40, s20, s12, $0xb8;
	[tilespmem:$0xA3C0] =	vst v63  }
0x37: {  	_ = 	snop  }
0x38: {  	[tilespmem:s23], [sflag:$0x1] =	stream.indirect.gather [hbm4b:s7+s12], $0x40, s22, s12, $0xb8;
	[tilespmem:$0xA3C0] =	vst v63  }
0x39: {  	_ = 	snop  }
0x3a: {  	[tilespmem:s25], [sflag:$0x1] =	stream.indirect.gather [hbm4b:s7+s12], $0x40, s24, s12, $0xb8;
	[tilespmem:$0xA3C0] =	vst v63  }
0x3b: {  	_ =	swait.ge [sflag:s26], $0x1400  }
0x3c: {  	[sflag:s26] =	ssyncset.done $0x0  }
0x3d: {  	[sflag:s26] =	ssyncadd.s32 $0xFFFFEC00  }
0x3e: {  	_ =	swait.ge [sflag:s26], $0x1400  }
0x3f: {  	[sflag:s26] =	ssyncset.done $0x0  }
0x40: {  	[sflag:s26] =	ssyncadd.s32 $0xFFFFEC00  }
0x41: {  	_ =	swait.ge [sflag:s26], $0x1400  }
0x42: {  	[sflag:s26] =	ssyncset.done $0x0  }
0x43: {  	[sflag:s26] =	ssyncadd.s32 $0xFFFFEC00  }
0x44: {  	_ =	swait.ge [sflag:s26], $0x1400  }
0x45: {  	[sflag:s26] =	ssyncset.done $0x0  }
0x46: {  	[sflag:s26] =	ssyncadd.s32 $0xFFFFEC00  }
0x47: {  	_ =	swait.ge [sflag:s26], $0x1400  }
0x48: {  	[sflag:s26] =	ssyncset.done $0x0  }
0x49: {  	[sflag:s26] =	ssyncadd.s32 $0xFFFFEC00  }
0x4a: {  	_ =	swait.ge [sflag:s26], $0x1400  }
0x4b: {  	[sflag:s26] =	ssyncset.done $0x0  }
0x4c: {  	[sflag:s26] =	ssyncadd.s32 $0xFFFFEC00  }
0x4d: {  	_ =	swait.ge [sflag:s26], $0x1400  }
0x4e: {  	[sflag:s26] =	ssyncset.done $0x0  }
0x4f: {  	[sflag:s26] =	ssyncadd.s32 $0xFFFFEC00  }
0x50: {  	_ =	swait.ge [sflag:s26], $0x1400  }
0x51: {  	[sflag:s26] =	ssyncset.done $0x0  }
0x52: {  	s9 =	simm.s32 $0x52A0;
	[sflag:s26] =	ssyncadd.s32 $0xFFFFEC00  }
0x53: {  	s1 =	simm.s32 $0x2A0;
	v0 =	vld [tilespmem:s9+$0xFFFFFFE0]  }
0x54: {  	v1 =	vld [tilespmem:s1+$0xFFFFFFE0]  }
0x55: {  	v2 =	vld [tilespmem:s1+$0xFFFFFFF0]  }
0x56: {  	s2 =	simm.s32 $0x1;
	v3 =	vld [tilespmem:s9+$0xFFFFFFF0]  }
.LBB2_4:
0x57: {  	p0 =	sne.s32 s2, $0x13F;
	v4 =	vld [tilespmem:s1+$0x0]  }
0x58: {  	v5 =	vld [tilespmem:s9+$0x0]  }
0x59: {  	v6 =	vld [tilespmem:s1+$0x10]  }
0x5a: {  	v7 =	vld [tilespmem:s9+$0x10]  }
0x5b: {  	v0 =	vsub.f32 v1, v0;
	v1 =	vsub.f32 v2, v3;
	_ =	sdelay $0x1  }
0x5c: {  	v0 =	vand.u32 $0x7FFFFFFF, v0;
	v1 =	vand.u32 $0x7FFFFFFF, v1;
	v2 =	vsub.f32 v4, v5  }
0x5d: {  	v0 =	vadd.f32 v1, v0  }
0x5e: {  	v1 =	vand.u32 $0x7FFFFFFF, v2;
	v2 =	vsub.f32 v6, v7  }
0x5f: {  	v0 =	vadd.f32 v1, v0  }
0x60: {  	v1 =	vand.u32 $0x7FFFFFFF, v2  }
0x61: {  	v0 =	vadd.f32 v1, v0;
	_ =	sdelay $0x1  }
0x62: {  	(xrf2) =	vadd.scan.msk.f32 $0xffff, v0;
	_ =	sdelay $0x7  }
0x63: {  	v0 =	vmov s5;
	s5 =	smov.u32 s2;
	_ =	sdelay $0x1  }
0x64: {  	v1, _, _ =	vpop (xrf2)  }
0x65: {  	v1 =	vbroadcast v1, $0xF;
	_ =	sdelay $0x1  }
.Ltmp5:
0x66: {  	s9 =	sadd.s32 $0x40, s9;
	[tilespmem:v0+s28+$0x0] =	vst.idx.msk $0x1, v1;
	(pc) =	sbr.rel @p0 .LBB2_4-.Ltmp5, $4  }
0x67: {  	s1 =	sadd.s32 $0x40, s1;
	v0 =	vld [tilespmem:s9+$0xFFFFFFE0]  }
0x68: {  	v1 =	vld [tilespmem:s1+$0xFFFFFFE0]  }
0x69: {  	v2 =	vld [tilespmem:s1+$0xFFFFFFF0]  }
0x6a: {  	s2 =	sadd.s32 $0x1, s2;
	v3 =	vld [tilespmem:s9+$0xFFFFFFF0]  }
0x6b: {  	v4 =	vld [tilespmem:s1+$0x0]  }
0x6c: {  	v5 =	vld [tilespmem:s9+$0x0]  }
0x6d: {  	v6 =	vld [tilespmem:s1+$0x10]  }
0x6e: {  	v7 =	vld [tilespmem:s9+$0x10]  }
0x6f: {  	v0 =	vsub.f32 v1, v0;
	v57 =	vsub.f32 v2, v3;
	_ =	sdelay $0x1  }
0x70: {  	v0 =	vand.u32 $0x7FFFFFFF, v0;
	v58 =	vsub.f32 v4, v5;
	v1 =	vand.u32 $0x7FFFFFFF, v57  }
0x71: {  	v0 =	vadd.f32 v1, v0  }
0x72: {  	v60 =	vsub.f32 v6, v7;
	v59 =	vand.u32 $0x7FFFFFFF, v58  }
0x73: {  	v0 =	vadd.f32 v59, v0  }
0x74: {  	v61 =	vand.u32 $0x7FFFFFFF, v60  }
0x75: {  	v0 =	vadd.f32 v61, v0;
	_ =	sdelay $0x1  }
0x76: {  	(xrf2) =	vadd.scan.msk.f32 $0xffff, v0;
	_ =	sdelay $0x7  }
0x77: {  	v62 =	vmov s5;
	_ =	sdelay $0x1  }
0x78: {  	v63, _, _ =	vpop (xrf2)  }
0x79: {  	v1 =	vbroadcast v63, $0xF;
	_ =	sdelay $0x1  }
.Ltmp6:
0x7a: {  	s0 =	sadd.s32 s3, s0;
	[tilespmem:v62+s28+$0x0] =	vst.idx.msk $0x1, v1;
	(pc) =	sbr.rel .LBB2_6-.Ltmp6, $4  }
0x7b: {  	[hbm4b:s0+s4] =	stream.linear.scatter [tilespmem:s28], [sflag:$0x2], $0x140, $0x38;
	[tilespmem:$0xA3C0] =	vst v63  }
0x7c: {  	_ =	swait.ge [sflag:s29], $0x140  }
0x7d: {  	[sflag:s29] =	ssyncset.done $0x0  }
0x7e: {  	[sflag:s29] =	ssyncadd.s32 $0xFFFFFEC0  }
.LBB2_8:
0x7f: {  	_ =	sfence.sel $0x180000  }
0x80: {  	[bflag:$0x0] =	sbarrier.arrive $0xFFFF  }
0x81: {  	_ =	strace $0x90000047  }
0x82: {  	s0 =	stileid.u32;
	[bflag:$0x2] =	sbarrier.arrive $0xFFFF  }
0x83: {  	p0 =	sne.s32 s0, $0x0;
	s0 =	rddreg [dreg:$0x4]  }
0x84: {  	s0 =	sadd.s32 @!p0 $0x100000, s0  }
0x85: {  	[sflag:s0] =	ssyncadd.tile.s32 @!p0 $0x1;
	_ =	shalt  }
.Lfunc_end2:
_tile_overlayer_lowered:
.L_overlay_start_2:
0x86: {  	(tag) =	ssettag $0x2  }
0x87: {  	s0 =	rddreg [dreg:$0x0];
	s2 =	stileid.u32  }
0x88: {  	s1 =	rddreg [dreg:$0x1];
	p0 =	sne.s32 s2, $0x0  }
0x89: {  	s3 =	rddreg [dreg:$0x2];
	[bflag:$0x3] =	sbarrier.arrive $0xFFFF;
	s2 =	simm.s32 @!p0 $0x1C02  }
0x8a: {  	[timem:s3], [sflag:s2] =	dma.local @!p0 [hbm:s0], s1  }
0x8b: {  	s0 =	simm.s32 @!p0 $0x2  }
0x8c: {  	_ =	swait.ge @!p0 [sflag:s0], s1  }
0x8d: {  	s1 =	ssub.s32 @!p0 $0x0, s1;
	[sflag:s0] =	ssyncset.done @!p0 $0x0  }
0x8e: {  	[sflag:s0] =	ssyncadd.s32 @!p0 s1  }
0x8f: {  	[bflag:$0x3] =	sbarrier.arrive $0xFFFF  }
0x90: {  	_ =	shalt  }

</sc_bundles>
